<compile_context>
chip_gen: v7x
topology: tpu7x:2x2x1
jax: 0.10.2.dev20260603
libtpu: 0.0.44.dev20260713+nightly
codegen_flags: <defaults>
</compile_context>

<pallas_src>
import dataclasses
import functools

import jax
import jax.numpy as jnp
from jax import lax
from jax.experimental import pallas as pl
from jax.experimental.pallas import tpu as pltpu
from jax.experimental.pallas import tpu_sc as plsc


_TILE = 4096
_B = 16384
_NC, _NS, _L = 2, 16, 16
_CHUNK = _B // (_NC * _NS)


def _scores_kernel(obs_ref, w0_ref, b0_ref, w1_ref, b1_ref,
                   w2_ref, b2_ref, s_ref):
    h0 = jnp.maximum(
        jnp.dot(obs_ref[...], w0_ref[...], preferred_element_type=jnp.float32)
        + b0_ref[...], 0.0).astype(jnp.bfloat16)
    h1 = jnp.maximum(
        jnp.dot(h0, w1_ref[...], preferred_element_type=jnp.float32)
        .astype(jnp.bfloat16) + b1_ref[...], jnp.bfloat16(0))
    s_ref[...] = (jnp.dot(h1, w2_ref[...], preferred_element_type=jnp.float32)
                  + b2_ref[...])


def _run_scores(obs_vec, W0, b0, W1cat, b1cat, W2blk, b2cat):
    B = obs_vec.shape[0]
    tile = _TILE
    grid = (B // tile,)
    return pl.pallas_call(
        _scores_kernel,
        grid=grid,
        in_specs=[
            pl.BlockSpec((tile, 10), lambda i: (i, 0)),
            pl.BlockSpec((10, 32), lambda i: (0, 0)),
            pl.BlockSpec((1, 32), lambda i: (0, 0)),
            pl.BlockSpec((32, 512), lambda i: (0, 0)),
            pl.BlockSpec((1, 512), lambda i: (0, 0)),
            pl.BlockSpec((512, 32), lambda i: (0, 0)),
            pl.BlockSpec((1, 32), lambda i: (0, 0)),
        ],
        out_specs=pl.BlockSpec((tile, 32), lambda i: (i, 0)),
        out_shape=jax.ShapeDtypeStruct((B, 32), jnp.float32),
    )(obs_vec.astype(jnp.bfloat16), W0.astype(jnp.bfloat16),
      b0.reshape(1, 32).astype(jnp.bfloat16), W1cat.astype(jnp.bfloat16),
      b1cat.astype(jnp.bfloat16), W2blk.astype(jnp.bfloat16), b2cat)


def _sc_select(s, z):
    mesh = plsc.VectorSubcoreMesh(core_axis_name="c", subcore_axis_name="s")
    cp = pltpu.CompilerParams()
    if "needs_layout_passes" in pltpu.CompilerParams.__dataclass_fields__:
        cp = dataclasses.replace(cp, needs_layout_passes=False)

    @functools.partial(
        pl.kernel, mesh=mesh, compiler_params=cp,
        out_type=jax.ShapeDtypeStruct((2, _B), jnp.float32),
        scratch_types=[
            pltpu.VMEM((_CHUNK, 32), jnp.float32),
            pltpu.VMEM((_CHUNK,), jnp.int32),
            pltpu.VMEM((_CHUNK,), jnp.float32),
            pltpu.VMEM((_CHUNK,), jnp.float32),
        ],
    )
    def sel(s_hbm, z_hbm, out_hbm, s_v, z_v, x_v, y_v):
        wid = lax.axis_index("s") * _NC + lax.axis_index("c")
        base = wid * _CHUNK
        pltpu.sync_copy(s_hbm.at[pl.ds(base, _CHUNK)], s_v)
        pltpu.sync_copy(z_hbm.at[pl.ds(base, _CHUNK)], z_v)

        @pl.loop(0, _CHUNK, step=_L)
        def _(t):
            rows = lax.iota(jnp.int32, _L) + t
            zv = z_v[pl.ds(t, _L)]
            x_v[pl.ds(t, _L)] = plsc.load_gather(s_v, [rows, zv])
            y_v[pl.ds(t, _L)] = plsc.load_gather(s_v, [rows, zv + 16])

        pltpu.sync_copy(x_v, out_hbm.at[0, pl.ds(base, _CHUNK)])
        pltpu.sync_copy(y_v, out_hbm.at[1, pl.ds(base, _CHUNK)])

    return sel(s, z)


def kernel(obs_vec, z_logits, best, W0, b0, Wx1, bx1, Wx2, bx2, Wy1, by1, Wy2, by2):
    n_modes = Wx1.shape[0]
    hid = Wx1.shape[2]
    W1x = Wx1.transpose(1, 0, 2).reshape(32, n_modes * hid)
    W1y = Wy1.transpose(1, 0, 2).reshape(32, n_modes * hid)
    W1cat = jnp.concatenate([W1x, W1y], axis=1)
    b1cat = jnp.concatenate([bx1.reshape(1, -1), by1.reshape(1, -1)], axis=1)
    ex = jnp.eye(n_modes, dtype=jnp.float32)
    w2x = Wx2[:, :, 0]
    w2y = Wy2[:, :, 0]
    blk_x = (ex[:, None, :] * w2x[:, :, None]).reshape(n_modes * hid, n_modes)
    blk_y = (ex[:, None, :] * w2y[:, :, None]).reshape(n_modes * hid, n_modes)
    zeros = jnp.zeros_like(blk_x)
    W2blk = jnp.concatenate(
        [jnp.concatenate([blk_x, zeros], axis=1),
         jnp.concatenate([zeros, blk_y], axis=1)], axis=0)
    b2cat = jnp.concatenate([bx2[:, 0], by2[:, 0]]).reshape(1, 32)

    s = _run_scores(obs_vec, W0, b0, W1cat, b1cat, W2blk, b2cat)
    out2 = _sc_select(s, z_logits.astype(jnp.int32))
    actions = out2.T
    return (actions, z_logits)

# --- scband reference (transcript-rebuilt; emitter-appended) ---
"""Pipeline reference for scband-agent-bc-mb-30829275250944 (READ-ONLY COPY).

The authoritative reference and input builder live on the scoring server;
editing this copy changes nothing except your own understanding.
"""

import jax, jax.numpy as jnp
import numpy as np

B = 16384
N_MODES = 16

def setup_inputs(seed: int = 0) -> dict:
    key = jax.random.key(seed)
    ks = jax.random.split(key, 12)
    obs_vec = jax.random.normal(ks[0], (B, 10), dtype=jnp.float32)
    z_logits = jax.random.randint(ks[1], (B,), 0, N_MODES)
    W0 = jax.random.normal(ks[2], (10, 32), dtype=jnp.float32) * 0.1
    b0 = jnp.zeros((32,), dtype=jnp.float32)
    Wx1 = jax.random.normal(ks[3], (N_MODES, 32, 16), dtype=jnp.float32) * 0.1
    bx1 = jnp.zeros((N_MODES, 16), dtype=jnp.float32)
    Wx2 = jax.random.normal(ks[4], (N_MODES, 16, 2), dtype=jnp.float32) * 0.1
    bx2 = jnp.zeros((N_MODES, 2), dtype=jnp.float32)
    Wy1 = jax.random.normal(ks[5], (N_MODES, 32, 16), dtype=jnp.float32) * 0.1
    by1 = jnp.zeros((N_MODES, 16), dtype=jnp.float32)
    Wy2 = jax.random.normal(ks[6], (N_MODES, 16, 2), dtype=jnp.float32) * 0.1
    by2 = jnp.zeros((N_MODES, 2), dtype=jnp.float32)
    return {"obs_vec": obs_vec, "z_logits": z_logits, "best": 1,
            "W0": W0, "b0": b0,
            "Wx1": Wx1, "bx1": bx1, "Wx2": Wx2, "bx2": bx2,
            "Wy1": Wy1, "by1": by1, "Wy2": Wy2, "by2": by2}

def reference(obs_vec, z_logits, best, W0, b0, Wx1, bx1, Wx2, bx2, Wy1, by1, Wy2, by2):
    # vector_state_root: Linear(10,32) + ReLU (+ Dropout in eval mode = identity)
    vec_state = jax.nn.relu(obs_vec @ W0 + b0)
    actions = jnp.zeros((obs_vec.shape[0], 2), dtype=jnp.float32)
    n_modes = Wx1.shape[0]
    for m in range(n_modes):
        lx = jax.nn.relu(vec_state @ Wx1[m] + bx1[m]) @ Wx2[m] + bx2[m]
        ly = jax.nn.relu(vec_state @ Wy1[m] + by1[m]) @ Wy2[m] + by2[m]
        loc = jnp.concatenate([lx[:, :1], ly[:, :1]], axis=1)
        # best=True path: Normal(loc, relu(scale)+1e-8).mode == loc
        actions = jnp.where((z_logits == m)[:, None], loc, actions)
    actions = jnp.where(jnp.asarray(best) != 0, actions, actions)
    return (actions, z_logits)

if __name__ == "__main__":
    import jax
    _d = setup_inputs()
    print(jax.jit(kernel)(*tuple(_d.values())))

</pallas_src>

<mosaic_0001>
#map = affine_map<(d0, d1) -> (0, 0)>
#map1 = affine_map<(d0, d1) -> (0)>
module attributes {stable_mosaic.version = 14 : i64} {
  func.func @sel(%arg0: i32, %arg1: i32, %arg2: memref<16384x32xf32, #tpu.memory_space<hbm>>, %arg3: memref<16384xi32, #tpu.memory_space<hbm>>, %arg4: memref<2x16384xf32, #tpu.memory_space<hbm>>, %arg5: memref<512x32xf32, #tpu.memory_space<vmem>>, %arg6: memref<512xi32, #tpu.memory_space<vmem>>, %arg7: memref<512xf32, #tpu.memory_space<vmem>>, %arg8: memref<512xf32, #tpu.memory_space<vmem>>) attributes {dimension_semantics = [#tpu.dimension_semantics<core_parallel>, #tpu.dimension_semantics<subcore_parallel>], iteration_bounds = array<i64: 2, 16>, scalar_prefetch = 0 : i64, scratch_operands = 4 : i64, tpu.core_type = #tpu.core_type<sc_vector_subcore>, window_params = [{transform_indices = #map}, {transform_indices = #map1}, {transform_indices = #map}]} {
    %mul3A = arith.constant 2 : i32
    %mul3A_0 = arith.muli %arg1, %mul3A : i32
    %add3A = arith.addi %mul3A_0, %arg0 : i32
    %mul3A_1 = arith.constant 512 : i32
    %mul3A_2 = arith.muli %add3A, %mul3A_1 : i32
    "tpu.region"() ({
      %run_scoped3A_8 = tpu.sem_alloc : memref<!tpu.dma_semaphore, #tpu.memory_space<semaphore_mem>>
      %dma_start3A = arith.constant 0 : i32
      %dma_start3A_9 = tpu.memref_slice %arg2[%mul3A_2, %dma_start3A] : memref<16384x32xf32, #tpu.memory_space<hbm>> -> memref<512x32xf32, #tpu.memory_space<hbm>>
      %dma_start3A_10 = arith.constant 0 : i32
      %dma_start3A_11 = tpu.memref_slice %arg2[%mul3A_2, %dma_start3A_10] : memref<16384x32xf32, #tpu.memory_space<hbm>> -> memref<512x32xf32, #tpu.memory_space<hbm>>
      tpu.enqueue_dma source(%dma_start3A_11 : memref<512x32xf32, #tpu.memory_space<hbm>>) target(%arg5 : memref<512x32xf32, #tpu.memory_space<vmem>>) target_semaphore(%run_scoped3A_8 : memref<!tpu.dma_semaphore, #tpu.memory_space<semaphore_mem>>)
      %dma_wait3A = arith.constant 0 : i32
      %dma_wait3A_12 = tpu.memref_slice %arg2[%mul3A_2, %dma_wait3A] : memref<16384x32xf32, #tpu.memory_space<hbm>> -> memref<512x32xf32, #tpu.memory_space<hbm>>
      %dma_wait3A_13 = arith.constant 0 : i32
      %dma_wait3A_14 = tpu.memref_slice %arg2[%mul3A_2, %dma_wait3A_13] : memref<16384x32xf32, #tpu.memory_space<hbm>> -> memref<512x32xf32, #tpu.memory_space<hbm>>
      tpu.wait_dma2 semaphore(%run_scoped3A_8 : memref<!tpu.dma_semaphore, #tpu.memory_space<semaphore_mem>>) src(%dma_wait3A_14 : memref<512x32xf32, #tpu.memory_space<hbm>>) dst(%arg5 : memref<512x32xf32, #tpu.memory_space<vmem>>)
      tpu.yield
    }) : () -> ()
    "tpu.region"() ({
      %run_scoped3A_8 = tpu.sem_alloc : memref<!tpu.dma_semaphore, #tpu.memory_space<semaphore_mem>>
      %dma_start3A = tpu.memref_slice %arg3[%mul3A_2] : memref<16384xi32, #tpu.memory_space<hbm>> -> memref<512xi32, #tpu.memory_space<hbm>>
      %dma_start3A_9 = tpu.memref_slice %arg3[%mul3A_2] : memref<16384xi32, #tpu.memory_space<hbm>> -> memref<512xi32, #tpu.memory_space<hbm>>
      tpu.enqueue_dma source(%dma_start3A_9 : memref<512xi32, #tpu.memory_space<hbm>>) target(%arg6 : memref<512xi32, #tpu.memory_space<vmem>>) target_semaphore(%run_scoped3A_8 : memref<!tpu.dma_semaphore, #tpu.memory_space<semaphore_mem>>)
      %dma_wait3A = tpu.memref_slice %arg3[%mul3A_2] : memref<16384xi32, #tpu.memory_space<hbm>> -> memref<512xi32, #tpu.memory_space<hbm>>
      %dma_wait3A_10 = tpu.memref_slice %arg3[%mul3A_2] : memref<16384xi32, #tpu.memory_space<hbm>> -> memref<512xi32, #tpu.memory_space<hbm>>
      tpu.wait_dma2 semaphore(%run_scoped3A_8 : memref<!tpu.dma_semaphore, #tpu.memory_space<semaphore_mem>>) src(%dma_wait3A_10 : memref<512xi32, #tpu.memory_space<hbm>>) dst(%arg6 : memref<512xi32, #tpu.memory_space<vmem>>)
      tpu.yield
    }) : () -> ()
    %scan3A = arith.constant 0 : i32
    %scan3A_3 = arith.constant 32 : i32
    %scan3A_4 = arith.addi %scan3A, %scan3A_3 : i32
    %scan3A_5 = arith.constant 1 : i32
    scf.for %scan3A_8 = %scan3A to %scan3A_4 step %scan3A_5  : i32 {
      %mul3A_9 = arith.constant 16 : i32
      %mul3A_10 = arith.muli %scan3A_8, %mul3A_9 : i32
      %add3A_11 = arith.constant 0 : i32
      %add3A_12 = arith.addi %add3A_11, %mul3A_10 : i32
      %iota3A = tpu.iota {dimensions = array<i32: 0>} : vector<16xi32>
      %add3A_13 = vector.broadcast %add3A_12 : i32 to vector<16xi32>
      %add3A_14 = arith.addi %iota3A, %add3A_13 : vector<16xi32>
      %get3A = arith.index_cast %add3A_12 : i32 to index
      %get3A_15 = tpu.vector_load %arg6[%get3A] {strides = array<i32>} : memref<512xi32, #tpu.memory_space<vmem>>, vector<16xi32>,
      %gather3A = tpu.vector_load_idx %arg5[%add3A_14, %get3A_15] : memref<512x32xf32, #tpu.memory_space<vmem>>[vector<16xi32>, vector<16xi32>], vector<16xf32>,
      %swap3A = arith.index_cast %add3A_12 : i32 to index
      %swap3A_16 = tpu.vector_load %arg7[%swap3A] {strides = array<i32>} : memref<512xf32, #tpu.memory_space<vmem>>, vector<16xf32>,
      tpu.vector_store %arg7[%swap3A], %gather3A {strides = array<i32>} : memref<512xf32, #tpu.memory_space<vmem>>, vector<16xf32>,
      %add3A_17 = arith.constant 16 : i32
      %add3A_18 = vector.broadcast %add3A_17 : i32 to vector<16xi32>
      %add3A_19 = arith.addi %get3A_15, %add3A_18 : vector<16xi32>
      %gather3A_20 = tpu.vector_load_idx %arg5[%add3A_14, %add3A_19] : memref<512x32xf32, #tpu.memory_space<vmem>>[vector<16xi32>, vector<16xi32>], vector<16xf32>,
      %swap3A_21 = arith.index_cast %add3A_12 : i32 to index
      %swap3A_22 = tpu.vector_load %arg8[%swap3A_21] {strides = array<i32>} : memref<512xf32, #tpu.memory_space<vmem>>, vector<16xf32>,
      tpu.vector_store %arg8[%swap3A_21], %gather3A_20 {strides = array<i32>} : memref<512xf32, #tpu.memory_space<vmem>>, vector<16xf32>,
    }
    %scan3A_6 = arith.constant 32 : i32
    %run_scoped3A = arith.constant 0 : i32
    "tpu.region"() ({
      %run_scoped3A_8 = tpu.sem_alloc : memref<!tpu.dma_semaphore, #tpu.memory_space<semaphore_mem>>
      %dma_start3A = tpu.memref_slice %arg4[%run_scoped3A, %mul3A_2] : memref<2x16384xf32, #tpu.memory_space<hbm>> -> memref<1x512xf32, #tpu.memory_space<hbm>>
      %dma_start3A_9 = tpu.memref_squeeze %dma_start3A : memref<1x512xf32, #tpu.memory_space<hbm>> -> memref<512xf32, #tpu.memory_space<hbm>>
      %dma_start3A_10 = tpu.memref_slice %arg4[%run_scoped3A, %mul3A_2] : memref<2x16384xf32, #tpu.memory_space<hbm>> -> memref<1x512xf32, #tpu.memory_space<hbm>>
      %dma_start3A_11 = tpu.memref_squeeze %dma_start3A_10 : memref<1x512xf32, #tpu.memory_space<hbm>> -> memref<512xf32, #tpu.memory_space<hbm>>
      tpu.enqueue_dma source(%arg7 : memref<512xf32, #tpu.memory_space<vmem>>) target(%dma_start3A_11 : memref<512xf32, #tpu.memory_space<hbm>>) target_semaphore(%run_scoped3A_8 : memref<!tpu.dma_semaphore, #tpu.memory_space<semaphore_mem>>)
      %dma_wait3A = tpu.memref_slice %arg4[%run_scoped3A, %mul3A_2] : memref<2x16384xf32, #tpu.memory_space<hbm>> -> memref<1x512xf32, #tpu.memory_space<hbm>>
      %dma_wait3A_12 = tpu.memref_squeeze %dma_wait3A : memref<1x512xf32, #tpu.memory_space<hbm>> -> memref<512xf32, #tpu.memory_space<hbm>>
      %dma_wait3A_13 = tpu.memref_slice %arg4[%run_scoped3A, %mul3A_2] : memref<2x16384xf32, #tpu.memory_space<hbm>> -> memref<1x512xf32, #tpu.memory_space<hbm>>
      %dma_wait3A_14 = tpu.memref_squeeze %dma_wait3A_13 : memref<1x512xf32, #tpu.memory_space<hbm>> -> memref<512xf32, #tpu.memory_space<hbm>>
      tpu.wait_dma2 semaphore(%run_scoped3A_8 : memref<!tpu.dma_semaphore, #tpu.memory_space<semaphore_mem>>) src(%arg7 : memref<512xf32, #tpu.memory_space<vmem>>) dst(%dma_wait3A_14 : memref<512xf32, #tpu.memory_space<hbm>>)
      tpu.yield
    }) : () -> ()
    %run_scoped3A_7 = arith.constant 1 : i32
    "tpu.region"() ({
      %run_scoped3A_8 = tpu.sem_alloc : memref<!tpu.dma_semaphore, #tpu.memory_space<semaphore_mem>>
      %dma_start3A = tpu.memref_slice %arg4[%run_scoped3A_7, %mul3A_2] : memref<2x16384xf32, #tpu.memory_space<hbm>> -> memref<1x512xf32, #tpu.memory_space<hbm>>
      %dma_start3A_9 = tpu.memref_squeeze %dma_start3A : memref<1x512xf32, #tpu.memory_space<hbm>> -> memref<512xf32, #tpu.memory_space<hbm>>
      %dma_start3A_10 = tpu.memref_slice %arg4[%run_scoped3A_7, %mul3A_2] : memref<2x16384xf32, #tpu.memory_space<hbm>> -> memref<1x512xf32, #tpu.memory_space<hbm>>
      %dma_start3A_11 = tpu.memref_squeeze %dma_start3A_10 : memref<1x512xf32, #tpu.memory_space<hbm>> -> memref<512xf32, #tpu.memory_space<hbm>>
      tpu.enqueue_dma source(%arg8 : memref<512xf32, #tpu.memory_space<vmem>>) target(%dma_start3A_11 : memref<512xf32, #tpu.memory_space<hbm>>) target_semaphore(%run_scoped3A_8 : memref<!tpu.dma_semaphore, #tpu.memory_space<semaphore_mem>>)
      %dma_wait3A = tpu.memref_slice %arg4[%run_scoped3A_7, %mul3A_2] : memref<2x16384xf32, #tpu.memory_space<hbm>> -> memref<1x512xf32, #tpu.memory_space<hbm>>
      %dma_wait3A_12 = tpu.memref_squeeze %dma_wait3A : memref<1x512xf32, #tpu.memory_space<hbm>> -> memref<512xf32, #tpu.memory_space<hbm>>
      %dma_wait3A_13 = tpu.memref_slice %arg4[%run_scoped3A_7, %mul3A_2] : memref<2x16384xf32, #tpu.memory_space<hbm>> -> memref<1x512xf32, #tpu.memory_space<hbm>>
      %dma_wait3A_14 = tpu.memref_squeeze %dma_wait3A_13 : memref<1x512xf32, #tpu.memory_space<hbm>> -> memref<512xf32, #tpu.memory_space<hbm>>
      tpu.wait_dma2 semaphore(%run_scoped3A_8 : memref<!tpu.dma_semaphore, #tpu.memory_space<semaphore_mem>>) src(%arg8 : memref<512xf32, #tpu.memory_space<vmem>>) dst(%dma_wait3A_14 : memref<512xf32, #tpu.memory_space<hbm>>)
      tpu.yield
    }) : () -> ()
    return
  }
}

module attributes {stable_mosaic.version = 14 : i64} {
  func.func @_scores_kernel(%arg0: i32, %arg1: memref<4096x10xbf16, #tpu.memory_space<vmem>>, %arg2: memref<10x32xbf16, #tpu.memory_space<vmem>>, %arg3: memref<1x32xbf16, #tpu.memory_space<vmem>>, %arg4: memref<32x512xbf16, #tpu.memory_space<vmem>>, %arg5: memref<1x512xbf16, #tpu.memory_space<vmem>>, %arg6: memref<512x32xbf16, #tpu.memory_space<vmem>>, %arg7: memref<1x32xf32, #tpu.memory_space<vmem>>, %arg8: memref<4096x32xf32, #tpu.memory_space<vmem>>) attributes {dimension_semantics = [#tpu.dimension_semantics<arbitrary>], iteration_bounds = array<i64: 4>, scalar_prefetch = 0 : i64, scratch_operands = 0 : i64, tpu.core_type = #tpu.core_type<tc>, window_params = [{transform_indices = @transform_0, window_bounds = array<i64: 4096, 10>}, {pipeline_mode = #tpu.pipeline_mode<synchronous>, transform_indices = @transform_1, window_bounds = array<i64: 10, 32>}, {pipeline_mode = #tpu.pipeline_mode<synchronous>, transform_indices = @transform_2, window_bounds = array<i64: 1, 32>}, {pipeline_mode = #tpu.pipeline_mode<synchronous>, transform_indices = @transform_3, window_bounds = array<i64: 32, 512>}, {pipeline_mode = #tpu.pipeline_mode<synchronous>, transform_indices = @transform_4, window_bounds = array<i64: 1, 512>}, {pipeline_mode = #tpu.pipeline_mode<synchronous>, transform_indices = @transform_5, window_bounds = array<i64: 512, 32>}, {pipeline_mode = #tpu.pipeline_mode<synchronous>, transform_indices = @transform_6, window_bounds = array<i64: 1, 32>}, {transform_indices = @transform_7, window_bounds = array<i64: 4096, 32>}]} {
    %get3A = arith.constant 0 : index
    %get3A_0 = arith.constant 0 : index
    %get3A_1 = vector.load %arg1[%get3A, %get3A_0] : memref<4096x10xbf16, #tpu.memory_space<vmem>>, vector<4096x10xbf16>
    %get3A_2 = arith.constant 0 : index
    %get3A_3 = arith.constant 0 : index
    %get3A_4 = vector.load %arg2[%get3A_2, %get3A_3] : memref<10x32xbf16, #tpu.memory_space<vmem>>, vector<10x32xbf16>
    %dot_general3A = arith.constant dense<0.000000e+00> : vector<4096x32xf32>
    %dot_general3A_5 = tpu.matmul %get3A_1, %get3A_4, %dot_general3A {dimension_numbers = #tpu.dot_dimension_numbers<[1], [0], [0], [1], [0, 0, 1, 1], [], []>, transpose_lhs_hint = false} : vector<4096x10xbf16>, vector<10x32xbf16>, vector<4096x32xf32> -> vector<4096x32xf32>
    %get3A_6 = arith.constant 0 : index
    %get3A_7 = arith.constant 0 : index
    %get3A_8 = vector.load %arg3[%get3A_6, %get3A_7] : memref<1x32xbf16, #tpu.memory_space<vmem>>, vector<1x32xbf16>
    %convert_element_type3A = arith.extf %get3A_8 : vector<1x32xbf16> to vector<1x32xf32>
    %add3A = vector.broadcast %convert_element_type3A : vector<1x32xf32> to vector<4096x32xf32>
    %add3A_9 = arith.addf %dot_general3A_5, %add3A : vector<4096x32xf32>
    %max3A = arith.constant 0.000000e+00 : f32
    %max3A_10 = vector.broadcast %max3A : f32 to vector<4096x32xf32>
    %max3A_11 = arith.maximumf %add3A_9, %max3A_10 : vector<4096x32xf32>
    %convert_element_type3A_12 = arith.truncf %max3A_11 : vector<4096x32xf32> to vector<4096x32xbf16>
    %get3A_13 = arith.constant 0 : index
    %get3A_14 = arith.constant 0 : index
    %get3A_15 = vector.load %arg4[%get3A_13, %get3A_14] : memref<32x512xbf16, #tpu.memory_space<vmem>>, vector<32x512xbf16>
    %dot_general3A_16 = arith.constant dense<0.000000e+00> : vector<4096x512xf32>
    %dot_general3A_17 = tpu.matmul %convert_element_type3A_12, %get3A_15, %dot_general3A_16 {dimension_numbers = #tpu.dot_dimension_numbers<[1], [0], [0], [1], [0, 0, 1, 1], [], []>, transpose_lhs_hint = false} : vector<4096x32xbf16>, vector<32x512xbf16>, vector<4096x512xf32> -> vector<4096x512xf32>
    %convert_element_type3A_18 = arith.truncf %dot_general3A_17 : vector<4096x512xf32> to vector<4096x512xbf16>
    %get3A_19 = arith.constant 0 : index
    %get3A_20 = arith.constant 0 : index
    %get3A_21 = vector.load %arg5[%get3A_19, %get3A_20] : memref<1x512xbf16, #tpu.memory_space<vmem>>, vector<1x512xbf16>
    %add3A_22 = vector.broadcast %get3A_21 : vector<1x512xbf16> to vector<4096x512xbf16>
    %add3A_23 = arith.addf %convert_element_type3A_18, %add3A_22 : vector<4096x512xbf16>
    %max3A_24 = arith.constant 0.000000e+00 : bf16
    %max3A_25 = vector.broadcast %max3A_24 : bf16 to vector<4096x512xbf16>
    %max3A_26 = arith.maximumf %add3A_23, %max3A_25 : vector<4096x512xbf16>
    %get3A_27 = arith.constant 0 : index
    %get3A_28 = arith.constant 0 : index
    %get3A_29 = vector.load %arg6[%get3A_27, %get3A_28] : memref<512x32xbf16, #tpu.memory_space<vmem>>, vector<512x32xbf16>
    %dot_general3A_30 = arith.constant dense<0.000000e+00> : vector<4096x32xf32>
    %dot_general3A_31 = tpu.matmul %max3A_26, %get3A_29, %dot_general3A_30 {dimension_numbers = #tpu.dot_dimension_numbers<[1], [0], [0], [1], [0, 0, 1, 1], [], []>, transpose_lhs_hint = false} : vector<4096x512xbf16>, vector<512x32xbf16>, vector<4096x32xf32> -> vector<4096x32xf32>
    %get3A_32 = arith.constant 0 : index
    %get3A_33 = arith.constant 0 : index
    %get3A_34 = vector.load %arg7[%get3A_32, %get3A_33] : memref<1x32xf32, #tpu.memory_space<vmem>>, vector<1x32xf32>
    %add3A_35 = vector.broadcast %get3A_34 : vector<1x32xf32> to vector<4096x32xf32>
    %add3A_36 = arith.addf %dot_general3A_31, %add3A_35 : vector<4096x32xf32>
    %swap3A = arith.constant 0 : index
    %swap3A_37 = arith.constant 0 : index
    %swap3A_38 = vector.load %arg8[%swap3A, %swap3A_37] : memref<4096x32xf32, #tpu.memory_space<vmem>>, vector<4096x32xf32>
    tpu.vector_store %arg8[%swap3A, %swap3A_37], %add3A_36 {strides = array<i32>} : memref<4096x32xf32, #tpu.memory_space<vmem>>, vector<4096x32xf32>,
    return
  }
  func.func @transform_0(%arg0: i32) -> (i32, i32) {
    %c0_i32 = arith.constant 0 : i32
    %c0_i32_0 = arith.constant 0 : i32
    return %arg0, %c0_i32 : i32, i32
  }
  func.func @transform_1(%arg0: i32) -> (i32, i32) {
    %c0_i32 = arith.constant 0 : i32
    %c0_i32_0 = arith.constant 0 : i32
    %c0_i32_1 = arith.constant 0 : i32
    return %c0_i32, %c0_i32_0 : i32, i32
  }
  func.func @transform_2(%arg0: i32) -> (i32, i32) {
    %c0_i32 = arith.constant 0 : i32
    %c0_i32_0 = arith.constant 0 : i32
    %c0_i32_1 = arith.constant 0 : i32
    return %c0_i32, %c0_i32_0 : i32, i32
  }
  func.func @transform_3(%arg0: i32) -> (i32, i32) {
    %c0_i32 = arith.constant 0 : i32
    %c0_i32_0 = arith.constant 0 : i32
    %c0_i32_1 = arith.constant 0 : i32
    return %c0_i32, %c0_i32_0 : i32, i32
  }
  func.func @transform_4(%arg0: i32) -> (i32, i32) {
    %c0_i32 = arith.constant 0 : i32
    %c0_i32_0 = arith.constant 0 : i32
    %c0_i32_1 = arith.constant 0 : i32
    return %c0_i32, %c0_i32_0 : i32, i32
  }
  func.func @transform_5(%arg0: i32) -> (i32, i32) {
    %c0_i32 = arith.constant 0 : i32
    %c0_i32_0 = arith.constant 0 : i32
    %c0_i32_1 = arith.constant 0 : i32
    return %c0_i32, %c0_i32_0 : i32, i32
  }
  func.func @transform_6(%arg0: i32) -> (i32, i32) {
    %c0_i32 = arith.constant 0 : i32
    %c0_i32_0 = arith.constant 0 : i32
    %c0_i32_1 = arith.constant 0 : i32
    return %c0_i32, %c0_i32_0 : i32, i32
  }
  func.func @transform_7(%arg0: i32) -> (i32, i32) {
    %c0_i32 = arith.constant 0 : i32
    %c0_i32_0 = arith.constant 0 : i32
    return %arg0, %c0_i32 : i32, i32
  }
}

</mosaic_0001>

<sc_bundles>
// kernel: kernel.4.cloned.1.call-start
scs
__scs_entry_jumppad:
0x0: {  	(pc) =	sbr.rel $0x88, $3  }
0x1: {  	(tag) =	ssettag $0x0;
	lr =	simm.s32 $0x1  }
0x2: {  	[smem:$0x3F95] =	sst lr;
	_ =	strace $0xD0000000  }
0x3: {  	_ = 	snop  }
0x4: {  	_ = 	snop  }
0x5: {  	_ = 	snop  }
0x6: {  	_ = 	snop  }
0x7: {  	_ = 	snop  }
__scs_overlays_trampoline_lowered:
0x8: {  	[smem:$0x3FA4] =	sst s0  }
0x9: {  	[smem:$0x3FA5] =	sst s1  }
0xa: {  	[smem:$0x3FA6] =	sst s2  }
0xb: {  	[smem:$0x3FA7] =	sst s3  }
0xc: {  	[smem:$0x3FA8] =	sst s4  }
0xd: {  	[smem:$0x3FA9] =	sst s5  }
0xe: {  	[smem:$0x3FAA] =	sst s6  }
0xf: {  	[smem:$0x3FAB] =	sst s7  }
0x10: {  	[smem:$0x3FAC] =	sst s8  }
0x11: {  	[smem:$0x3FAD] =	sst s9;
	s0 =	simm.s32 @!p0 $0x0  }
0x12: {  	s1 =	sld [smem:$0x3F93];
	s0 =	simm.s32 @p0 $0x1  }
0x13: {  	[smem:$0x3FAE] =	sst s0;
	s0 =	simm.s32 @!p1 $0x0  }
0x14: {  	s2 =	sld [smem:$0x3F92];
	s0 =	simm.s32 @p1 $0x1  }
0x15: {  	[smem:$0x3FAF] =	sst s0;
	s0 =	simm.s32 @!p2 $0x0  }
0x16: {  	s3 =	sld [smem:$0x3FDB];
	s0 =	simm.s32 @p2 $0x1  }
0x17: {  	s4 =	simm.s32 $0x1BF5;
	[smem:$0x3FB1] =	sst s0  }
0x18: {  	s0 =	sld [smem:$0x3F94];
	_ =	swait.ge [sflag:s4], $0x0  }
0x19: {  	s7 =	sld [smem:$0x3F95]  }
0x1a: {  	s8 =	sadd.s32 $0xFFFFE003, lr  }
0x1b: {  	s9 =	sadd.s32 $0xFFFFFEF7, lr;
	s5 =	simm.s32 $0xFFFFFFFF;
	p2 =	slt.u32 s8, $0xFFFFF086  }
0x1c: {  	p1 =	slt.u32 s9, $0xF7A;
	s5 =	simm.s32 @!p2 $0x0  }
0x1d: {  	s5 =	simm.s32 @p1 $0x1;
	p0 =	seq.s32 s7, s2  }
0x1e: {  	s7 =	smul.u32 @!p0 $0xF7A, s2;
	p2 =	seq.s32 @!p0 s5, $0x0  }
0x1f: {  	s9 =	smul.u32 $0xF7A, s1;
	s8 =	simm.s32 @!p0 $0x1BF5;
	p2 =	por !p2, p0  }
0x20: {  	[sflag:s8] =	ssyncset.s32 @!p0 $0xFFFFF086;
	s6 =	sadd.s32 @!p0 s3, s7;
	s7 =	simm.s32 @!p0 $0x108  }
0x21: {  	s3 =	sadd.s32 s3, s9;
	s6 =	sadd.s32 @!p0 $0x88, s6;
	s7 =	simm.s32 @p2 $0x1082  }
0x22: {  	[simem:s7], [sflag:s8] =	dma.local @!p0 [hbm:s6], $0xF7A  }
0x23: {  	s9 =	sor.u32 $0xD0000000, s2;
	s6 =	simm.s32 $0x108;
	_ =	swait.ge @!p0 [sflag:s8], $0x0  }
0x24: {  	s3 =	sadd.s32 $0x88, s3;
	s6 =	simm.s32 @!p1 $0x1082;
	[sflag:s4] =	ssyncset.s32 $0xFFFFF086  }
0x25: {  	[simem:s6], [sflag:s4] =	dma.local [hbm:s3], $0xF7A  }
0x26: {  	[smem:$0x3F95] =	sst s1;
	(tag) =	ssettag s2;
	_ =	strace s9  }
0x27: {  	s1 =	sld [smem:$0x3FA5]  }
0x28: {  	s2 =	sld [smem:$0x3FA6]  }
0x29: {  	s4 =	sld [smem:$0x3FA8]  }
0x2a: {  	p0 =	seq.s32 s5, $0x0;
	s5 =	sld [smem:$0x3FA9]  }
0x2b: {  	s6 =	sld [smem:$0x3FAA]  }
0x2c: {  	s7 =	sld [smem:$0x3FAB]  }
0x2d: {  	s3 =	simm.s32 $0x108;
	s8 =	sld [smem:$0x3FAC]  }
0x2e: {  	s3 =	simm.s32 @!p0 $0x1082;
	s9 =	sld [smem:$0x3FAD]  }
0x2f: {  	lr =	sadd.s32 s0, s3;
	s0 =	sld [smem:$0x3FA4]  }
0x30: {  	s3 =	sld [smem:$0x3FA7]  }
0x31: {  	[smem:$0x3FB0] =	sst s10  }
0x32: {  	s10 =	sld [smem:$0x3FAE];
	_ =	sdelay $0x3  }
0x33: {  	p0 =	seq.s32 s10, $0x1;
	s10 =	sld [smem:$0x3FB0];
	_ =	sdelay $0x3  }
0x34: {  	[smem:$0x3FB0] =	sst s10  }
0x35: {  	s10 =	sld [smem:$0x3FAF];
	_ =	sdelay $0x3  }
0x36: {  	p1 =	seq.s32 s10, $0x1;
	s10 =	sld [smem:$0x3FB0];
	_ =	sdelay $0x3  }
0x37: {  	[smem:$0x3FB0] =	sst s10  }
0x38: {  	s10 =	sld [smem:$0x3FB1]  }
0x39: {  	_ = 	snop;
	(pc) =	sbr.ind lr, $3  }
0x3a: {  	_ = 	snop  }
0x3b: {  	_ = 	snop  }
0x3c: {  	p2 =	seq.s32 s10, $0x1;
	s10 =	sld [smem:$0x3FB0]  }
0x3d: {  	_ =	shalt  }
0x3e: {  	_ =	shalt  }
0x3f: {  	_ =	shalt  }
0x40: {  	_ =	shalt  }
0x41: {  	_ =	shalt  }
0x42: {  	_ =	shalt  }
0x43: {  	_ =	shalt  }
0x44: {  	_ =	shalt  }
0x45: {  	_ =	shalt  }
0x46: {  	_ =	shalt  }
0x47: {  	_ =	shalt  }
0x48: {  	_ =	shalt  }
0x49: {  	_ =	shalt  }
0x4a: {  	_ =	shalt  }
0x4b: {  	_ =	shalt  }
0x4c: {  	_ =	shalt  }
0x4d: {  	_ =	shalt  }
0x4e: {  	_ =	shalt  }
0x4f: {  	_ =	shalt  }
0x50: {  	_ =	shalt  }
0x51: {  	_ =	shalt  }
0x52: {  	_ =	shalt  }
0x53: {  	_ =	shalt  }
0x54: {  	_ =	shalt  }
0x55: {  	_ =	shalt  }
0x56: {  	_ =	shalt  }
0x57: {  	_ =	shalt  }
0x58: {  	_ =	shalt  }
0x59: {  	_ =	shalt  }
0x5a: {  	_ =	shalt  }
0x5b: {  	_ =	shalt  }
0x5c: {  	_ =	shalt  }
0x5d: {  	_ =	shalt  }
0x5e: {  	_ =	shalt  }
0x5f: {  	_ =	shalt  }
0x60: {  	_ =	shalt  }
0x61: {  	_ =	shalt  }
0x62: {  	_ =	shalt  }
0x63: {  	_ =	shalt  }
0x64: {  	_ =	shalt  }
0x65: {  	_ =	shalt  }
0x66: {  	_ =	shalt  }
0x67: {  	_ =	shalt  }
0x68: {  	_ =	shalt  }
0x69: {  	_ =	shalt  }
0x6a: {  	_ =	shalt  }
0x6b: {  	_ =	shalt  }
0x6c: {  	_ =	shalt  }
0x6d: {  	_ =	shalt  }
0x6e: {  	_ =	shalt  }
0x6f: {  	_ =	shalt  }
0x70: {  	_ =	shalt  }
0x71: {  	_ =	shalt  }
0x72: {  	_ =	shalt  }
0x73: {  	_ =	shalt  }
0x74: {  	_ =	shalt  }
0x75: {  	_ =	shalt  }
0x76: {  	_ =	shalt  }
0x77: {  	_ =	shalt  }
0x78: {  	_ =	shalt  }
0x79: {  	_ =	shalt  }
0x7a: {  	_ =	shalt  }
0x7b: {  	_ =	shalt  }
0x7c: {  	_ =	shalt  }
0x7d: {  	_ =	shalt  }
0x7e: {  	_ =	shalt  }
0x7f: {  	_ =	shalt  }
0x80: {  	_ =	shalt  }
0x81: {  	_ =	shalt  }
0x82: {  	_ =	shalt  }
0x83: {  	_ =	shalt  }
0x84: {  	_ =	shalt  }
0x85: {  	_ =	shalt  }
0x86: {  	_ =	shalt  }
0x87: {  	_ =	shalt  }
.Lfunc_end0:
.L_simem_size_0:
called_computation_lowered:
.L_overlay_start_0:
0x88: {  	s2 =	sld [smem:$0x3FD9]  }
0x89: {  	s3 =	sld [smem:$0x3FFE];
	_ =	sdelay $0x1  }
0x8a: {  	s1 =	srdreg.scid  }
0x8b: {  	s0 =	sand.u32 $0x1, s1  }
0x8c: {  	s14 =	sshll.u32 s0, $0xA;
	s2 =	sadd.s32 s3, s2  }
0x8d: {  	s2 =	sadd.s32 s2, s14  }
0x8e: {  	[smem:$0x3FBC] =	sst s2  }
0x8f: {  	_ = 	snop  }
0x90: {  	s2 =	sld [smem:$0x3FD0];
	_ =	sdelay $0x2  }
0x91: {  	s4 =	simm.s32 $0xA;
	s5 =	simm.s32 $0x10;
	s15 =	sld [smem:$0x3FC8]  }
0x92: {  	[smem:s5], [sflag:s4] =	dma.local [hbm:s2], $0x1  }
0x93: {  	_ =	swait.eq [sflag:s4], $0x1  }
0x94: {  	[sflag:s4] =	ssyncset.done $0x0  }
0x95: {  	[sflag:s4] =	ssyncadd.s32 $0xFFFFFFFF  }
0x96: {  	s16 =	sld [smem:$0x10];
	(tm) =	ssettm $0x1  }
0x97: {  	s17 =	sld [smem:$0x3FFB];
	_ =	sdelay $0x3  }
0x98: {  	_ =	strace s17  }
0x99: {  	s4 =	sld [smem:$0x3FFC];
	_ =	sdelay $0x3  }
0x9a: {  	_ =	strace s4  }
0x9b: {  	s4 =	sld [smem:$0x3FFD];
	_ =	sdelay $0x3  }
0x9c: {  	_ =	strace s4  }
0x9d: {  	_ =	strace $0x8FFFFFFF  }
0x9e: {  	s18 =	sld [smem:$0x3FDB];
	_ =	sdelay $0x1  }
0x9f: {  	s19 =	simm.s32 $_scs_section_size  }
0xa0: {  	s6 =	simm.s32 $_size__tile_overlayer_lowered;
	s7 =	simm.s32 $_tile_overlayer_lowered  }
0xa1: {  	s22 =	simm.s32 $0x1BFF;
	s21 =	sshll.u32 s7, $0x1;
	s4 =	sadd.s32 s19, s18  }
0xa2: {  	s8 =	simm.s32 $0x0;
	s20 =	sshll.u32 s6, $0x1;
	s6 =	sadd.s32 s21, s4  }
0xa3: {  	[timem:s8], [sflag:s22] =	dma.local [hbm:s6], s20  }
0xa4: {  	_ =	swait.ge [sflag:s22], s20  }
0xa5: {  	s5 =	ssub.s32 $0x0, s20;
	[sflag:s22] =	ssyncset.done $0x0  }
0xa6: {  	[sflag:s22] =	ssyncadd.s32 s5;
	_ =	sdelay $0x1  }
0xa7: {  	s23 =	simm.s32 $0x1B8B  }
0xa8: {  	_ =	swait.ge [sflag:s23], $0x1  }
0xa9: {  	[sflag:s23] =	ssyncset.done $0x0  }
0xaa: {  	s25 =	simm.s32 $0x1B8E;
	s24 =	sld [smem:$0x3FFE];
	[sflag:s23] =	ssyncadd.s32 $0xFFFFFFFF  }
0xab: {  	s26 =	simm.s32 $execute0_lowered;
	[smem:$0x3FD2] =	sst s25  }
0xac: {  	s6 =	sshll.u32 s26, $0x1;
	_ =	strace $0x80000046;
	[dreg:$0x1] =	wrdreg $0xFFFFFFFF  }
0xad: {  	s28 =	simm.s32 $_size_execute0_lowered;
	s4 =	sadd.s32 s4, s6;
	[dreg:$0x0] =	wrdreg $0x0  }
0xae: {  	s6 =	sshll.u32 s28, $0x1;
	[dreg:$0x2] =	wrdreg s4  }
0xaf: {  	[dreg:$0x3] =	wrdreg s6  }
0xb0: {  	[dreg:$0x4] =	wrdreg $0xC0  }
0xb1: {  	_ =	task [dreg:s8], $0x5FFFF  }
0xb2: {  	[dreg:$0x1] =	wrdreg $0xFFFFFFFF  }
0xb3: {  	[dreg:$0x0] =	wrdreg $0x60  }
0xb4: {  	[dreg:$0x2] =	wrdreg s24  }
0xb5: {  	[dreg:$0x3] =	wrdreg s15  }
0xb6: {  	[dreg:$0x4] =	wrdreg s16  }
0xb7: {  	[dreg:$0x5] =	wrdreg $0x9  }
0xb8: {  	_ =	task.clear_ibuf [dreg:s8], $0x6FFFF;
	_ =	strace $0x90000046  }
0xb9: {  	s29 =	simm.s32 $0x9;
	_ =	strace $0x80000048  }
0xba: {  	_ =	swait.ge [sflag:s29], $0x1  }
0xbb: {  	[sflag:s29] =	ssyncadd.s32 $0xFFFFFFFF  }
0xbc: {  	_ =	strace $0x90000048  }
0xbd: {  	_ =	sfence  }
0xbe: {  	s30 =	sld [smem:$0x0];
	_ =	sdelay $0x2  }
0xbf: {  	s31 =	sshll.u32 s1, $0xD;
	s1 =	sshrl.u32 s1, $0x2  }
0xc0: {  	s3 =	sand.u32 $0x4000, s31;
	s1 =	sadd.s32 s1, s30  }
0xc1: {  	s0 =	sor.u32 s3, s0;
	s1 =	sshll.u32 s1, $0x11  }
0xc2: {  	s0 =	sor.u32 s1, s0  }
0xc3: {  	s0 =	sadd.s32 $0x8F2B, s0  }
0xc4: {  	[sflag:s0] =	ssyncadd.remote.s32 $0x1  }
0xc5: {  	_ =	sfence.sel $0xFFFF  }
0xc6: {  	[dreg:$0x0] =	wrdreg $0xFFFFFFFF;
	(pc) =	sbr.abs _section_cstart, $3  }
0xc7: {  	[dreg:$0x1] =	wrdreg $0xFFFFFFFF  }
0xc8: {  	_ =	task.clear_ibuf [dreg:s8], $0x2FFFF;
	_ =	strace $0x9FFFFFFF  }
0xc9: {  	(tm) =	ssettm $0x7FFFFFFF  }
tec
execute0_lowered:
.L_overlay_start_1:
0x0: {  	(tag) =	ssettag $0x1  }
0x1: {  	s3 =	rddreg [dreg:$0x0]  }
0x2: {  	s5 =	rddreg [dreg:$0x1]  }
0x3: {  	s4 =	rddreg [dreg:$0x2];
	s2 =	srdreg.scid  }
0x4: {  	s0 =	rddreg [dreg:$0x3];
	s1 =	stileid.u32;
	s10 =	simm.s32 $0x100  }
0x5: {  	s11 =	simm.s32 $0x10200;
	s12 =	simm.s32 $0x10400;
	s13 =	simm.s32 $0x0  }
0x6: {  	s6 =	sand.u32 $0x1, s2;
	s2 =	simm.s32 $0x0;
	s7 =	sshll.u32 s1, $0xA  }
0x7: {  	s8 =	sshll.u32 s6, $0x9;
	[smem:$0x7FF] =	sst s2;
	s6 =	ssub.s32 $0x2, s6  }
0x8: {  	s7 =	sor.u32 s8, s7;
	_ =	strace $0x80000047;
	s9 =	sshrl.u32 s6, $0x1  }
0x9: {  	s8 =	sshll.u32 s7, $0x4;
	s30 =	ssub.s32 s6, s9;
	s31 =	sshrl.u32 s7, $0x2  }
0xa: {  	s7 =	sshrl.u32 s7, $0x3;
	s9 =	simm.s32 $0x80;
	s3 =	sadd.s32 s8, s3  }
0xb: {  	v0 =	vlaneseq.u32;
	s4 =	sadd.s32 s4, s31;
	s5 =	sadd.s32 s5, s7;
	s7 =	smax.u32 s30, $0x1  }
0xc: {  	v0 =	vmul.u32 $0x80, v0;
	s8 =	simm.s32 $0x1;
	s3 =	sadd.s32 $0x400, s3;
	s6 =	sadd.s32 $0x10, s4  }
.LBB2_1:
0xd: {  	[tilespmem:s2], [sflag:$0x1] =	stream.linear.gather [hbm4b:s3+s2], $0x10000, $0x38;
	[tilespmem:$0x10600] =	vst v63  }
0xe: {  	_ =	swait.ge [sflag:s8], $0x10000  }
0xf: {  	[sflag:s8] =	ssyncset.done $0x0  }
0x10: {  	s14 =	simm.s32 $0x10000;
	[sflag:s8] =	ssyncadd.s32 $0xFFFF0000  }
0x11: {  	[tilespmem:s14], [sflag:$0x1] =	stream.linear.gather [hbm4b:s5+s2], $0x200, $0x38;
	[tilespmem:$0x10600] =	vst v63  }
0x12: {  	_ =	swait.ge [sflag:s8], $0x200  }
0x13: {  	[sflag:s8] =	ssyncset.done $0x0  }
0x14: {  	[sflag:s8] =	ssyncadd.s32 $0xFFFFFE00  }
0x15: {  	v1 =	vld [tilespmem:s14+$0x0];
	_ =	sdelay $0x2  }
0x16: {  	v2 =	vmov s2  }
0x17: {  	v2 =	vshll.u32 v2, $0x7  }
0x18: {  	v2 =	vor.u32 v0, v2;
	v3 =	vand.u32 $0xFFFFFF80, v1  }
0x19: {  	v4 =	vand.u32 $0x7F, v1;
	v3 =	vadd.s32 v2, v3  }
0x1a: {  	v3 =	vor.u32 v4, v3;
	_ =	sdelay $0x2  }
0x1b: {  	v1 =	vadd.s32 $0x10, v1  }
0x1c: {  	v63 =	vand.u32 $0xFFFFFF80, v1  }
0x1d: {  	v1 =	vand.u32 $0x7F, v1;
	v2 =	vadd.s32 v2, v63;
	v3 =	vld.idx.msk [tilespmem:v3+s2+$0x0], $0xffff  }
0x1e: {  	v1 =	vor.u32 v1, v2;
	_ =	sdelay $0x3  }
0x1f: {  	[tilespmem:s11+$0x0] =	vst v3  }
0x20: {  	v1 =	vld.idx.msk [tilespmem:v1+s2+$0x0], $0xffff;
	_ =	sdelay $0x4  }
0x21: {  	s16 =	simm.s32 $0x10;
	s17 =	simm.s32 $0x10010;
	[tilespmem:s12+$0x0] =	vst v1  }
0x22: {  	s18 =	simm.s32 $0x20;
	s15 =	simm.s32 $0x10200;
	s14 =	simm.s32 $0x10400;
	v1 =	vld [tilespmem:s17+$0x0]  }
.LBB2_2:
0x23: {  	p0 =	sne.s32 s18, $0x1F0;
	_ =	sdelay $0x1  }
0x24: {  	v2 =	vmov s16;
	s16 =	smov.u32 s18  }
0x25: {  	v2 =	vshll.u32 v2, $0x7  }
0x26: {  	v2 =	vor.u32 v0, v2;
	v3 =	vand.u32 $0xFFFFFF80, v1  }
0x27: {  	v4 =	vand.u32 $0x7F, v1;
	v3 =	vadd.s32 v2, v3  }
0x28: {  	v3 =	vor.u32 v4, v3;
	_ =	sdelay $0x3  }
0x29: {  	v1 =	vadd.s32 $0x10, v1  }
0x2a: {  	v4 =	vand.u32 $0xFFFFFF80, v1;
	v3 =	vld.idx.msk [tilespmem:v3+s2+$0x0], $0xffff  }
0x2b: {  	v1 =	vand.u32 $0x7F, v1;
	v2 =	vadd.s32 v2, v4  }
0x2c: {  	v1 =	vor.u32 v1, v2;
	_ =	sdelay $0x2  }
0x2d: {  	s15 =	sadd.s32 $0x10, s15  }
0x2e: {  	[tilespmem:s15+$0x0] =	vst v3  }
0x2f: {  	v1 =	vld.idx.msk [tilespmem:v1+s2+$0x0], $0xffff;
	_ =	sdelay $0x2  }
.Ltmp0:
0x30: {  	(pc) =	sbr.rel @p0 .LBB2_2-.Ltmp0, $4  }
0x31: {  	_ = 	snop  }
0x32: {  	s14 =	sadd.s32 $0x10, s14  }
0x33: {  	s17 =	sadd.s32 $0x10, s17;
	[tilespmem:s14+$0x0] =	vst v1  }
0x34: {  	s18 =	sadd.s32 $0x10, s18;
	v1 =	vld [tilespmem:s17+$0x0]  }
0x35: {  	_ =	sdelay $0x1  }
0x36: {  	v2 =	vmov s16  }
0x37: {  	v2 =	vshll.u32 v2, $0x7  }
0x38: {  	v2 =	vor.u32 v0, v2;
	v3 =	vand.u32 $0xFFFFFF80, v1  }
0x39: {  	v4 =	vand.u32 $0x7F, v1;
	v3 =	vadd.s32 v2, v3  }
0x3a: {  	v3 =	vor.u32 v4, v3;
	_ =	sdelay $0x2  }
0x3b: {  	v1 =	vadd.s32 $0x10, v1  }
0x3c: {  	v63 =	vand.u32 $0xFFFFFF80, v1  }
0x3d: {  	v1 =	vand.u32 $0x7F, v1;
	v2 =	vadd.s32 v2, v63;
	v3 =	vld.idx.msk [tilespmem:v3+s2+$0x0], $0xffff  }
0x3e: {  	v1 =	vor.u32 v1, v2;
	_ =	sdelay $0x2  }
0x3f: {  	s15 =	sadd.s32 $0x10, s15  }
0x40: {  	[tilespmem:s15+$0x0] =	vst v3  }
0x41: {  	v1 =	vld.idx.msk [tilespmem:v1+s2+$0x0], $0xffff;
	_ =	sdelay $0x3  }
0x42: {  	s14 =	sadd.s32 $0x10, s14  }
0x43: {  	[tilespmem:s14+$0x0] =	vst v1  }
0x44: {  	[hbm4b:s4+s9] =	stream.strided.scatter [tilespmem:s11], [sflag:$0x1], $0x200, s10, s9, $0x38;
	[tilespmem:$0x10600] =	vst v63  }
0x45: {  	s13 =	sadd.s32 $0x1, s13;
	_ =	swait.ge [sflag:s8], $0x200  }
0x46: {  	p0 =	sne.s32 s13, s7;
	[sflag:s8] =	ssyncset.done $0x0  }
.Ltmp1:
0x47: {  	[sflag:s8] =	ssyncadd.s32 $0xFFFFFE00;
	(pc) =	sbr.rel @p0 .LBB2_1-.Ltmp1, $4  }
0x48: {  	[hbm4b:s6+s9] =	stream.strided.scatter [tilespmem:s12], [sflag:$0x1], $0x200, s10, s9, $0x38;
	[tilespmem:$0x10600] =	vst v63  }
0x49: {  	_ =	swait.ge [sflag:s8], $0x200  }
0x4a: {  	[sflag:s8] =	ssyncset.done $0x0  }
0x4b: {  	[sflag:s8] =	ssyncadd.s32 $0xFFFFFE00  }
0x4c: {  	_ =	sfence.sel $0x180000  }
0x4d: {  	[bflag:$0x0] =	sbarrier.arrive $0xFFFF  }
0x4e: {  	p0 =	sne.s32 s1, $0x0;
	_ =	strace $0x90000047  }
0x4f: {  	s0 =	sadd.s32 @!p0 $0x100000, s0;
	[bflag:$0x2] =	sbarrier.arrive $0xFFFF  }
0x50: {  	[sflag:s0] =	ssyncadd.tile.s32 @!p0 $0x1;
	_ =	shalt  }
.Lfunc_end2:
_tile_overlayer_lowered:
.L_overlay_start_2:
0x51: {  	(tag) =	ssettag $0x2  }
0x52: {  	s0 =	rddreg [dreg:$0x0];
	s2 =	stileid.u32  }
0x53: {  	s1 =	rddreg [dreg:$0x1];
	p0 =	sne.s32 s2, $0x0  }
0x54: {  	s3 =	rddreg [dreg:$0x2];
	[bflag:$0x3] =	sbarrier.arrive $0xFFFF;
	s2 =	simm.s32 @!p0 $0x1C01  }
0x55: {  	[timem:s3], [sflag:s2] =	dma.local @!p0 [hbm:s0], s1  }
0x56: {  	s0 =	simm.s32 @!p0 $0x1  }
0x57: {  	_ =	swait.ge @!p0 [sflag:s0], s1  }
0x58: {  	s1 =	ssub.s32 @!p0 $0x0, s1;
	[sflag:s0] =	ssyncset.done @!p0 $0x0  }
0x59: {  	[sflag:s0] =	ssyncadd.s32 @!p0 s1  }
0x5a: {  	[bflag:$0x3] =	sbarrier.arrive $0xFFFF  }
0x5b: {  	_ =	shalt  }

</sc_bundles>
